<compile_context>
chip_gen: v7x
topology: tpu7x:2x2x1
jax: 0.10.2.dev20260603
libtpu: 0.0.44.dev20260713+nightly
codegen_flags: <defaults>
</compile_context>

<pallas_src>
import functools

import numpy as np
import jax
import jax.numpy as jnp
from jax import lax
from jax.experimental import pallas as pl
from jax.experimental.pallas import tpu as pltpu
from jax.experimental.pallas import tpu_sc as plsc

_B, _N, _C, _M, _V = 4, 20000, 256, 1024, 300
_BLK = 2048
_NB = (_N + _BLK - 1) // _BLK


def _views_np(n):
    phi = (np.sqrt(5) - 1) / 2
    i = np.arange(n)
    zi = (2 * i + 1) / n - 1
    r = np.sqrt(np.clip(1 - zi ** 2, 0.0, None))
    xi = r * np.cos(2 * i * np.pi * phi)
    yi = r * np.sin(2 * i * np.pi * phi)
    return np.stack([xi, yi, zi], -1).astype(np.float32)


_VIEWS = _views_np(_V)



def _head_a_body(x_ref, wg1_ref, bg1_ref, gam_ref, bet_ref, mu_ref, var_ref,
                 wg2_ref, bg2_ref, g_ref, m_ref, ft_ref):
    x = x_ref[0]
    h = jnp.dot(wg1_ref[...], x, preferred_element_type=jnp.float32)
    h = h + bg1_ref[0][:, None]
    h = gam_ref[0][:, None] * (h - mu_ref[0][:, None]) / jnp.sqrt(
        var_ref[0][:, None] + 1e-5) + bet_ref[0][:, None]
    h = jnp.maximum(h, 0.0)
    gr = jnp.dot(wg2_ref[...], h, preferred_element_type=jnp.float32)
    gr = gr + bg2_ref[0][:, None]
    s0 = gr[0:1, :]
    s1 = gr[1:2, :]
    g = gr[2:3, :]
    g_ref[...] = g.reshape(1, 1, -1)
    m_ref[...] = jnp.where((g > 0.1) & (s1 > s0), 1.0, 0.0).reshape(1, 1, -1)
    ft_ref[0] = x.T


def _stage_a(feats, wg1, bg1, gam, bet, mu, var, wg2, bg2):
    vspec = pl.BlockSpec((1, _C), lambda b, n: (0, 0))
    g, m, ft = pl.pallas_call(
        _head_a_body,
        grid=(_B, _NB),
        in_specs=[
            pl.BlockSpec((1, _C, _BLK), lambda b, n: (b, 0, n)),
            pl.BlockSpec((_C, _C), lambda b, n: (0, 0)),
            vspec, vspec, vspec, vspec, vspec,
            pl.BlockSpec((3, _C), lambda b, n: (0, 0)),
            pl.BlockSpec((1, 3), lambda b, n: (0, 0)),
        ],
        out_specs=[
            pl.BlockSpec((1, 1, _BLK), lambda b, n: (b, 0, n)),
            pl.BlockSpec((1, 1, _BLK), lambda b, n: (b, 0, n)),
            pl.BlockSpec((1, _BLK, _C), lambda b, n: (b, n, 0)),
        ],
        out_shape=[
            jax.ShapeDtypeStruct((_B, 1, _N), jnp.float32),
            jax.ShapeDtypeStruct((_B, 1, _N), jnp.float32),
            jax.ShapeDtypeStruct((_B, _N, _C), jnp.float32),
        ],
    )(feats, wg1, bg1.reshape(1, _C), gam.reshape(1, _C), bet.reshape(1, _C),
      mu.reshape(1, _C), var.reshape(1, _C), wg2, bg2.reshape(1, 3))
    return g[:, 0, :], m[:, 0, :], ft



def _fps_body(x_ref, y_ref, z_ref, pts_ref, mask_ref,
              inds_ref, gxyz_ref, fp2_ref, dist_ref):
    mask = mask_ref[...]
    iota = lax.broadcasted_iota(jnp.int32, (_B, _N), 1)
    mx = jnp.max(mask, axis=1, keepdims=True)
    first = jnp.min(jnp.where(mask == mx, iota, _N), axis=1).astype(jnp.int32)
    dist_ref[...] = jnp.where(mask > 0.0, 1e10, -1e10)

    def body(i, last):
        rows = []
        for b in range(_B):
            rows.append(pts_ref[pl.ds(last[b], 1), b, :])
        rows = jnp.concatenate(rows, axis=0)
        inds_ref[pl.ds(i, 1)] = last.reshape(1, 1, _B)
        gxyz_ref[pl.ds(i, 1)] = rows[:, 0:3].reshape(1, _B, 3)
        fp2_ref[pl.ds(i, 1)] = rows[:, 3:4].reshape(1, 1, _B)
        d = ((x_ref[...] - rows[:, 0:1]) ** 2
             + (y_ref[...] - rows[:, 1:2]) ** 2
             + (z_ref[...] - rows[:, 2:3]) ** 2)
        dd = jnp.minimum(dist_ref[...], d)
        dist_ref[...] = dd
        mv = jnp.max(dd, axis=1, keepdims=True)
        return jnp.min(jnp.where(dd == mv, iota, _N), axis=1).astype(jnp.int32)

    lax.fori_loop(0, _M, body, first)


def _stage_b(x, y, z, pts, mask):
    return pl.pallas_call(
        _fps_body,
        out_shape=[
            jax.ShapeDtypeStruct((_M, 1, _B), jnp.int32),
            jax.ShapeDtypeStruct((_M, _B, 3), jnp.float32),
            jax.ShapeDtypeStruct((_M, 1, _B), jnp.float32),
        ],
        scratch_shapes=[pltpu.VMEM((_B, _N), jnp.float32)],
    )(x, y, z, pts, mask)



_NW = 32
_RPW = (_B * _M) // _NW


def _sc_gather_body(table_hbm, idx_hbm, out_hbm, idx_v, rows_v, sem):
    wid = lax.axis_index("s") * 2 + lax.axis_index("c")
    base = wid * _RPW
    pltpu.sync_copy(idx_hbm.at[pl.ds(base, _RPW)], idx_v)
    boff = (wid // (_M // _RPW)) * _N
    for j in range(_RPW // 16):
        idx_v[pl.ds(j * 16, 16)] = idx_v[pl.ds(j * 16, 16)] + boff
    pltpu.async_copy(table_hbm.at[idx_v], rows_v, sem).wait()
    pltpu.sync_copy(rows_v, out_hbm.at[pl.ds(base, _RPW)])


@functools.partial(jax.jit, static_argnames=())
def _gather_rows(table, idx):
    mesh = plsc.VectorSubcoreMesh(core_axis_name="c", subcore_axis_name="s")
    f = functools.partial(
        pl.kernel,
        mesh=mesh,
        out_type=jax.ShapeDtypeStruct((_B * _M, _C), jnp.float32),
        scratch_types=[
            pltpu.VMEM((_RPW,), jnp.int32),
            pltpu.VMEM((_RPW, _C), jnp.float32),
            pltpu.SemaphoreType.DMA,
        ],
    )(_sc_gather_body)
    return f(table, idx)



def _head_d_body(ft_ref, w1_ref, b1_ref, gam_ref, bet_ref, mu_ref, var_ref,
                 w2_ref, b2_ref, views_ref, vp_ref, tvi_ref, rot_ref):
    ft = ft_ref[...]
    pre = lax.dot_general(ft, w1_ref[...], (((1,), (1,)), ((), ())),
                          preferred_element_type=jnp.float32)
    pre = pre + b1_ref[0][None, :]
    f = gam_ref[0][None, :] * (pre - mu_ref[0][None, :]) / jnp.sqrt(
        var_ref[0][None, :] + 1e-5) + bet_ref[0][None, :]
    f = jnp.maximum(f, 0.0)
    vp = lax.dot_general(f, w2_ref[...], (((1,), (1,)), ((), ())),
                         preferred_element_type=jnp.float32)
    vp = vp + b2_ref[0][None, :]
    vp_ref[...] = vp

    v0 = vp[:, 0:1]
    v1 = vp[:, 1:2]
    v2 = vp[:, 2:3]
    qn = vp / jnp.maximum(jnp.sqrt(v0 * v0 + v1 * v1 + v2 * v2), 1e-8)
    views = views_ref[...]
    w0 = views[:, 0:1]
    w1v = views[:, 1:2]
    w2v = views[:, 2:3]
    vn = views / jnp.maximum(jnp.sqrt(w0 * w0 + w1v * w1v + w2v * w2v), 1e-8)
    sim = lax.dot_general(qn, vn, (((1,), (1,)), ((), ())),
                          preferred_element_type=jnp.float32)
    iv = lax.broadcasted_iota(jnp.int32, sim.shape, 1)
    sm = jnp.max(sim, axis=1, keepdims=True)
    tvi_ref[...] = jnp.min(jnp.where(sim == sm, iv, _V), axis=1
                           ).astype(jnp.int32).reshape(-1, 1)

    t = -vp
    t0 = t[:, 0:1]
    t1 = t[:, 1:2]
    t2 = t[:, 2:3]
    zero = jnp.zeros_like(t0)
    ay = jnp.concatenate([-t1, t0, zero], axis=1)
    ny = jnp.sqrt(t1 * t1 + t0 * t0 + zero * zero)
    onevec = jnp.concatenate([zero, zero + 1.0, zero], axis=1)
    ay = jnp.where(ny == 0.0, onevec, ay)
    nx = jnp.sqrt(t0 * t0 + t1 * t1 + t2 * t2)
    axn = t / jnp.maximum(nx, 1e-12)
    a0 = ay[:, 0:1]
    a1 = ay[:, 1:2]
    a2 = ay[:, 2:3]
    nay = jnp.sqrt(a0 * a0 + a1 * a1 + a2 * a2)
    ayn = ay / jnp.maximum(nay, 1e-12)
    x0 = axn[:, 0:1]
    x1 = axn[:, 1:2]
    x2 = axn[:, 2:3]
    y0 = ayn[:, 0:1]
    y1 = ayn[:, 1:2]
    y2 = ayn[:, 2:3]
    z0 = x1 * y2 - x2 * y1
    z1 = x2 * y0 - x0 * y2
    z2 = x0 * y1 - x1 * y0
    rot_ref[...] = jnp.concatenate(
        [x0, y0, z0, x1, y1, z1, x2, y2, z2], axis=1)


def _stage_d(g_feat, w1, b1, gam, bet, mu, var, w2, b2, views):
    return pl.pallas_call(
        _head_d_body,
        out_shape=[
            jax.ShapeDtypeStruct((_B * _M, 3), jnp.float32),
            jax.ShapeDtypeStruct((_B * _M, 1), jnp.int32),
            jax.ShapeDtypeStruct((_B * _M, 9), jnp.float32),
        ],
    )(g_feat, w1, b1.reshape(1, _C), gam.reshape(1, _C), bet.reshape(1, _C),
      mu.reshape(1, _C), var.reshape(1, _C), w2, b2.reshape(1, 3), views)



def kernel(seed_xyz, seed_features, Wg1, bg1, gn_gamma, gn_beta, gn_mean,
           gn_var, Wg2, bg2, W1, b1, bn1_gamma, bn1_beta, bn1_mean, bn1_var,
           W2, b2):
    graspness, maskf, feat_t = _stage_a(
        seed_features, Wg1, bg1, gn_gamma, gn_beta, gn_mean, gn_var, Wg2, bg2)

    x = seed_xyz[:, :, 0]
    y = seed_xyz[:, :, 1]
    z = seed_xyz[:, :, 2]
    pts = jnp.transpose(
        jnp.concatenate([seed_xyz, graspness[:, :, None]], axis=2), (1, 0, 2))

    inds_m1b, gxyz_mb3, fp2_m1b = _stage_b(x, y, z, pts, maskf)
    inds = jnp.transpose(inds_m1b[:, 0, :], (1, 0))
    g_xyz = jnp.transpose(gxyz_mb3, (1, 0, 2))
    fp2_graspness = jnp.transpose(fp2_m1b[:, 0, :], (1, 0))

    table = feat_t.reshape(_B * _N, _C)
    g_feat = _gather_rows(table, inds.reshape(_B * _M))

    vp, tvi, rot = _stage_d(g_feat, W1, b1, bn1_gamma, bn1_beta, bn1_mean,
                            bn1_var, W2, b2, jnp.asarray(_VIEWS))
    vp_xyz = vp.reshape(_B, _M, 3)
    top_view_inds = tvi.reshape(_B, _M)
    vp_rot = rot.reshape(_B, _M, 3, 3)
    return vp_xyz, top_view_inds, vp_rot, g_xyz, fp2_graspness

# --- scband reference (transcript-rebuilt; emitter-appended) ---
"""Pipeline reference for scband-grasp-net-mscq-23682449670891 (READ-ONLY COPY).

The authoritative reference and input builder live on the scoring server;
editing this copy changes nothing except your own understanding.
"""

import jax, jax.numpy as jnp
import numpy as np

B, N, C, M, V = 4, 20000, 256, 1024, 300


def generate_grasp_views(n):
    phi = (np.sqrt(5) - 1) / 2
    i = np.arange(n)
    zi = (2 * i + 1) / n - 1
    r = np.sqrt(np.clip(1 - zi ** 2, 0.0, None))
    xi = r * np.cos(2 * i * np.pi * phi)
    yi = r * np.sin(2 * i * np.pi * phi)
    return jnp.asarray(np.stack([xi, yi, zi], -1), dtype=jnp.float32)


def conv1x1(x, W, b):
    return jnp.einsum('oc,bcn->bon', W, x) + b[None, :, None]


def bn_eval(x, gamma, beta, mean, var, eps=1e-5):
    return gamma[None, :, None] * (x - mean[None, :, None]) / jnp.sqrt(var[None, :, None] + eps) + beta[None, :, None]


def fps_masked(xyz, mask, m):
    first = jnp.argmax(mask.astype(jnp.int32))
    init_d = jnp.where(mask, 1e10, -1e10)

    def body(carry, _):
        dists, last = carry
        d = jnp.sum((xyz - xyz[last]) ** 2, axis=-1)
        dists = jnp.minimum(dists, d)
        dists = jnp.where(mask, dists, -1e10)
        nxt = jnp.argmax(dists)
        return (dists, nxt), last

    _, sel = jax.lax.scan(body, (init_d, first), None, length=m)
    return sel


def batch_viewpoint_params_to_matrix(towards, angle):
    ax = towards
    zeros = jnp.zeros_like(ax[:, 0])
    ay = jnp.stack([-ax[:, 1], ax[:, 0], zeros], -1)
    ny = jnp.linalg.norm(ay, axis=-1, keepdims=True)
    ay = jnp.where(ny == 0, jnp.array([0.0, 1.0, 0.0], dtype=ax.dtype), ay)
    ax = ax / jnp.maximum(jnp.linalg.norm(ax, axis=-1, keepdims=True), 1e-12)
    ay = ay / jnp.maximum(jnp.linalg.norm(ay, axis=-1, keepdims=True), 1e-12)
    az = jnp.cross(ax, ay)
    s, c = jnp.sin(angle), jnp.cos(angle)
    one, zero = jnp.ones_like(s), jnp.zeros_like(s)
    R1 = jnp.stack([one, zero, zero, zero, c, -s, zero, s, c], -1).reshape(-1, 3, 3)
    R2 = jnp.stack([ax, ay, az], -1)
    return jnp.matmul(R2, R1)


def setup_inputs(seed: int = 0):
    key = jax.random.key(seed)
    ks = jax.random.split(key, 8)
    return {
        'seed_xyz': jax.random.normal(ks[0], (B, N, 3), jnp.float32) * 0.3,
        'seed_features': jax.random.normal(ks[1], (B, C, N), jnp.float32),
        'Wg1': jax.random.normal(ks[2], (C, C), jnp.float32) * 0.05,
        'bg1': jnp.zeros((C,), jnp.float32),
        'gn_gamma': jnp.ones((C,), jnp.float32),
        'gn_beta': jnp.zeros((C,), jnp.float32),
        'gn_mean': jnp.zeros((C,), jnp.float32),
        'gn_var': jnp.ones((C,), jnp.float32),
        'Wg2': jax.random.normal(ks[3], (3, C), jnp.float32) * 0.05,
        'bg2': jnp.zeros((3,), jnp.float32),
        'W1': jax.random.normal(ks[4], (C, C), jnp.float32) * 0.05,
        'b1': jnp.zeros((C,), jnp.float32),
        'bn1_gamma': jnp.ones((C,), jnp.float32),
        'bn1_beta': jnp.zeros((C,), jnp.float32),
        'bn1_mean': jnp.zeros((C,), jnp.float32),
        'bn1_var': jnp.ones((C,), jnp.float32),
        'W2': jax.random.normal(ks[5], (3, C), jnp.float32) * 0.05,
        'b2': jnp.zeros((3,), jnp.float32),
    }


def reference(seed_xyz, seed_features, Wg1, bg1, gn_gamma, gn_beta, gn_mean, gn_var, Wg2, bg2, W1, b1, bn1_gamma, bn1_beta, bn1_mean, bn1_var, W2, b2):
    # graspable head: Conv1d -> BN -> ReLU -> Conv1d
    h = conv1x1(seed_features, Wg1, bg1)
    h = jax.nn.relu(bn_eval(h, gn_gamma, gn_beta, gn_mean, gn_var))
    graspable = conv1x1(h, Wg2, bg2)
    objectness_score = graspable[:, :2]
    graspness_score = graspable[:, 2]
    objectness_pred = jnp.argmax(objectness_score, axis=1)
    mask = (graspness_score > 0.1) & (objectness_pred == 1)
    # masked furthest point sampling of M=1024 graspable seeds per batch
    inds = jax.lax.stop_gradient(jax.vmap(lambda x, m: fps_masked(x, m, M))(seed_xyz, mask))
    g_xyz = jnp.take_along_axis(seed_xyz, inds[:, :, None], axis=1)
    g_feat = jnp.take_along_axis(seed_features, inds[:, None, :], axis=2)
    fp2_graspness = jnp.take_along_axis(graspness_score, inds, axis=1)
    # approach vector regression
    f = jax.nn.relu(bn_eval(conv1x1(g_feat, W1, b1), bn1_gamma, bn1_beta, bn1_mean, bn1_var))
    vp = conv1x1(f, W2, b2)
    vp_xyz = jnp.transpose(vp, (0, 2, 1))
    # retrieval: nearest template view by cosine similarity (K=300 codebook)
    views = generate_grasp_views(V)
    vn = views / jnp.maximum(jnp.linalg.norm(views, axis=-1, keepdims=True), 1e-8)
    qn = vp_xyz / jnp.maximum(jnp.linalg.norm(vp_xyz, axis=-1, keepdims=True), 1e-8)
    sim = jnp.einsum('bmd,vd->bmv', qn, vn)
    top_view_inds = jnp.argmax(sim, axis=2)
    angle = jnp.zeros((B * M,), jnp.float32)
    vp_rot = batch_viewpoint_params_to_matrix(-vp_xyz.reshape(-1, 3), angle).reshape(B, M, 3, 3)
    return vp_xyz, top_view_inds.astype(jnp.int32), vp_rot, g_xyz, fp2_graspness

if __name__ == "__main__":
    import jax
    _d = setup_inputs()
    print(jax.jit(kernel)(*tuple(_d.values())))

</pallas_src>

<mosaic_0001>
#map = affine_map<(d0, d1) -> (0, 0)>
#map1 = affine_map<(d0, d1) -> (0)>
module attributes {stable_mosaic.version = 14 : i64} {
  func.func @_sc_gather_body(%arg0: i32, %arg1: i32, %arg2: memref<80000x256xf32, #tpu.memory_space<hbm>>, %arg3: memref<4096xi32, #tpu.memory_space<hbm>>, %arg4: memref<4096x256xf32, #tpu.memory_space<hbm>>, %arg5: memref<128xi32, #tpu.memory_space<vmem>>, %arg6: memref<128x256xf32, #tpu.memory_space<vmem>>, %arg7: memref<!tpu.dma_semaphore, #tpu.memory_space<semaphore_mem>>) attributes {dimension_semantics = [#tpu.dimension_semantics<core_parallel>, #tpu.dimension_semantics<subcore_parallel>], iteration_bounds = array<i64: 2, 16>, scalar_prefetch = 0 : i64, scratch_operands = 3 : i64, tpu.core_type = #tpu.core_type<sc_vector_subcore>, window_params = [{transform_indices = #map}, {transform_indices = #map1}, {transform_indices = #map}]} {
    %mul3A = arith.constant 2 : i32
    %mul3A_0 = arith.muli %arg1, %mul3A : i32
    %add3A = arith.addi %mul3A_0, %arg0 : i32
    %mul3A_1 = arith.constant 128 : i32
    %mul3A_2 = arith.muli %add3A, %mul3A_1 : i32
    "tpu.region"() ({
      %run_scoped3A = tpu.sem_alloc : memref<!tpu.dma_semaphore, #tpu.memory_space<semaphore_mem>>
      %dma_start3A_95 = tpu.memref_slice %arg3[%mul3A_2] : memref<4096xi32, #tpu.memory_space<hbm>> -> memref<128xi32, #tpu.memory_space<hbm>>
      %dma_start3A_96 = tpu.memref_slice %arg3[%mul3A_2] : memref<4096xi32, #tpu.memory_space<hbm>> -> memref<128xi32, #tpu.memory_space<hbm>>
      tpu.enqueue_dma source(%dma_start3A_96 : memref<128xi32, #tpu.memory_space<hbm>>) target(%arg5 : memref<128xi32, #tpu.memory_space<vmem>>) target_semaphore(%run_scoped3A : memref<!tpu.dma_semaphore, #tpu.memory_space<semaphore_mem>>)
      %dma_wait3A_97 = tpu.memref_slice %arg3[%mul3A_2] : memref<4096xi32, #tpu.memory_space<hbm>> -> memref<128xi32, #tpu.memory_space<hbm>>
      %dma_wait3A_98 = tpu.memref_slice %arg3[%mul3A_2] : memref<4096xi32, #tpu.memory_space<hbm>> -> memref<128xi32, #tpu.memory_space<hbm>>
      tpu.wait_dma2 semaphore(%run_scoped3A : memref<!tpu.dma_semaphore, #tpu.memory_space<semaphore_mem>>) src(%dma_wait3A_98 : memref<128xi32, #tpu.memory_space<hbm>>) dst(%arg5 : memref<128xi32, #tpu.memory_space<vmem>>)
      tpu.yield
    }) : () -> ()
    %jit3A = arith.constant 8 : i32
    %div3A = arith.divsi %add3A, %jit3A : i32
    %sign3A = arith.constant 0 : i32
    %sign3A_3 = arith.cmpi sgt, %add3A, %sign3A : i32
    %sign3A_4 = arith.extui %sign3A_3 : i1 to i32
    %sign3A_5 = arith.constant 0 : i32
    %sign3A_6 = arith.cmpi slt, %add3A, %sign3A_5 : i32
    %sign3A_7 = arith.extui %sign3A_6 : i1 to i32
    %sign3A_8 = arith.subi %sign3A_4, %sign3A_7 : i32
    %sign3A_9 = arith.constant 0 : i32
    %sign3A_10 = arith.cmpi sgt, %jit3A, %sign3A_9 : i32
    %sign3A_11 = arith.extui %sign3A_10 : i1 to i32
    %sign3A_12 = arith.constant 0 : i32
    %sign3A_13 = arith.cmpi slt, %jit3A, %sign3A_12 : i32
    %sign3A_14 = arith.extui %sign3A_13 : i1 to i32
    %sign3A_15 = arith.subi %sign3A_11, %sign3A_14 : i32
    %ne3A = arith.cmpi ne, %sign3A_8, %sign3A_15 : i32
    %rem3A = arith.remsi %add3A, %jit3A : i32
    %ne3A_16 = arith.constant 0 : i32
    %ne3A_17 = arith.cmpi ne, %rem3A, %ne3A_16 : i32
    %and3A = arith.andi %ne3A, %ne3A_17 : i1
    %sub3A = arith.constant 1 : i32
    %sub3A_18 = arith.subi %div3A, %sub3A : i32
    %select_n3A = arith.select %and3A, %sub3A_18, %div3A : i32
    %mul3A_19 = arith.constant 20000 : i32
    %mul3A_20 = arith.muli %select_n3A, %mul3A_19 : i32
    %get3A = arith.constant 0 : index
    %get3A_21 = tpu.vector_load %arg5[%get3A] {strides = array<i32>} : memref<128xi32, #tpu.memory_space<vmem>>, vector<16xi32>,
    %get3A_22 = vector.shape_cast %get3A_21 : vector<16xi32> to vector<16xi32>
    %add3A_23 = vector.broadcast %mul3A_20 : i32 to vector<16xi32>
    %add3A_24 = arith.addi %get3A_22, %add3A_23 : vector<16xi32>
    %swap3A = arith.constant 0 : index
    %swap3A_25 = tpu.vector_load %arg5[%swap3A] {strides = array<i32>} : memref<128xi32, #tpu.memory_space<vmem>>, vector<16xi32>,
    %swap3A_26 = vector.shape_cast %swap3A_25 : vector<16xi32> to vector<16xi32>
    %swap3A_27 = vector.shape_cast %add3A_24 : vector<16xi32> to vector<16xi32>
    tpu.vector_store %arg5[%swap3A], %swap3A_27 {strides = array<i32>} : memref<128xi32, #tpu.memory_space<vmem>>, vector<16xi32>,
    %get3A_28 = arith.constant 16 : index
    %get3A_29 = tpu.vector_load %arg5[%get3A_28] {strides = array<i32>} : memref<128xi32, #tpu.memory_space<vmem>>, vector<16xi32>,
    %get3A_30 = vector.shape_cast %get3A_29 : vector<16xi32> to vector<16xi32>
    %add3A_31 = vector.broadcast %mul3A_20 : i32 to vector<16xi32>
    %add3A_32 = arith.addi %get3A_30, %add3A_31 : vector<16xi32>
    %swap3A_33 = arith.constant 16 : index
    %swap3A_34 = tpu.vector_load %arg5[%swap3A_33] {strides = array<i32>} : memref<128xi32, #tpu.memory_space<vmem>>, vector<16xi32>,
    %swap3A_35 = vector.shape_cast %swap3A_34 : vector<16xi32> to vector<16xi32>
    %swap3A_36 = vector.shape_cast %add3A_32 : vector<16xi32> to vector<16xi32>
    tpu.vector_store %arg5[%swap3A_33], %swap3A_36 {strides = array<i32>} : memref<128xi32, #tpu.memory_space<vmem>>, vector<16xi32>,
    %get3A_37 = arith.constant 32 : index
    %get3A_38 = tpu.vector_load %arg5[%get3A_37] {strides = array<i32>} : memref<128xi32, #tpu.memory_space<vmem>>, vector<16xi32>,
    %get3A_39 = vector.shape_cast %get3A_38 : vector<16xi32> to vector<16xi32>
    %add3A_40 = vector.broadcast %mul3A_20 : i32 to vector<16xi32>
    %add3A_41 = arith.addi %get3A_39, %add3A_40 : vector<16xi32>
    %swap3A_42 = arith.constant 32 : index
    %swap3A_43 = tpu.vector_load %arg5[%swap3A_42] {strides = array<i32>} : memref<128xi32, #tpu.memory_space<vmem>>, vector<16xi32>,
    %swap3A_44 = vector.shape_cast %swap3A_43 : vector<16xi32> to vector<16xi32>
    %swap3A_45 = vector.shape_cast %add3A_41 : vector<16xi32> to vector<16xi32>
    tpu.vector_store %arg5[%swap3A_42], %swap3A_45 {strides = array<i32>} : memref<128xi32, #tpu.memory_space<vmem>>, vector<16xi32>,
    %get3A_46 = arith.constant 48 : index
    %get3A_47 = tpu.vector_load %arg5[%get3A_46] {strides = array<i32>} : memref<128xi32, #tpu.memory_space<vmem>>, vector<16xi32>,
    %get3A_48 = vector.shape_cast %get3A_47 : vector<16xi32> to vector<16xi32>
    %add3A_49 = vector.broadcast %mul3A_20 : i32 to vector<16xi32>
    %add3A_50 = arith.addi %get3A_48, %add3A_49 : vector<16xi32>
    %swap3A_51 = arith.constant 48 : index
    %swap3A_52 = tpu.vector_load %arg5[%swap3A_51] {strides = array<i32>} : memref<128xi32, #tpu.memory_space<vmem>>, vector<16xi32>,
    %swap3A_53 = vector.shape_cast %swap3A_52 : vector<16xi32> to vector<16xi32>
    %swap3A_54 = vector.shape_cast %add3A_50 : vector<16xi32> to vector<16xi32>
    tpu.vector_store %arg5[%swap3A_51], %swap3A_54 {strides = array<i32>} : memref<128xi32, #tpu.memory_space<vmem>>, vector<16xi32>,
    %get3A_55 = arith.constant 64 : index
    %get3A_56 = tpu.vector_load %arg5[%get3A_55] {strides = array<i32>} : memref<128xi32, #tpu.memory_space<vmem>>, vector<16xi32>,
    %get3A_57 = vector.shape_cast %get3A_56 : vector<16xi32> to vector<16xi32>
    %add3A_58 = vector.broadcast %mul3A_20 : i32 to vector<16xi32>
    %add3A_59 = arith.addi %get3A_57, %add3A_58 : vector<16xi32>
    %swap3A_60 = arith.constant 64 : index
    %swap3A_61 = tpu.vector_load %arg5[%swap3A_60] {strides = array<i32>} : memref<128xi32, #tpu.memory_space<vmem>>, vector<16xi32>,
    %swap3A_62 = vector.shape_cast %swap3A_61 : vector<16xi32> to vector<16xi32>
    %swap3A_63 = vector.shape_cast %add3A_59 : vector<16xi32> to vector<16xi32>
    tpu.vector_store %arg5[%swap3A_60], %swap3A_63 {strides = array<i32>} : memref<128xi32, #tpu.memory_space<vmem>>, vector<16xi32>,
    %get3A_64 = arith.constant 80 : index
    %get3A_65 = tpu.vector_load %arg5[%get3A_64] {strides = array<i32>} : memref<128xi32, #tpu.memory_space<vmem>>, vector<16xi32>,
    %get3A_66 = vector.shape_cast %get3A_65 : vector<16xi32> to vector<16xi32>
    %add3A_67 = vector.broadcast %mul3A_20 : i32 to vector<16xi32>
    %add3A_68 = arith.addi %get3A_66, %add3A_67 : vector<16xi32>
    %swap3A_69 = arith.constant 80 : index
    %swap3A_70 = tpu.vector_load %arg5[%swap3A_69] {strides = array<i32>} : memref<128xi32, #tpu.memory_space<vmem>>, vector<16xi32>,
    %swap3A_71 = vector.shape_cast %swap3A_70 : vector<16xi32> to vector<16xi32>
    %swap3A_72 = vector.shape_cast %add3A_68 : vector<16xi32> to vector<16xi32>
    tpu.vector_store %arg5[%swap3A_69], %swap3A_72 {strides = array<i32>} : memref<128xi32, #tpu.memory_space<vmem>>, vector<16xi32>,
    %get3A_73 = arith.constant 96 : index
    %get3A_74 = tpu.vector_load %arg5[%get3A_73] {strides = array<i32>} : memref<128xi32, #tpu.memory_space<vmem>>, vector<16xi32>,
    %get3A_75 = vector.shape_cast %get3A_74 : vector<16xi32> to vector<16xi32>
    %add3A_76 = vector.broadcast %mul3A_20 : i32 to vector<16xi32>
    %add3A_77 = arith.addi %get3A_75, %add3A_76 : vector<16xi32>
    %swap3A_78 = arith.constant 96 : index
    %swap3A_79 = tpu.vector_load %arg5[%swap3A_78] {strides = array<i32>} : memref<128xi32, #tpu.memory_space<vmem>>, vector<16xi32>,
    %swap3A_80 = vector.shape_cast %swap3A_79 : vector<16xi32> to vector<16xi32>
    %swap3A_81 = vector.shape_cast %add3A_77 : vector<16xi32> to vector<16xi32>
    tpu.vector_store %arg5[%swap3A_78], %swap3A_81 {strides = array<i32>} : memref<128xi32, #tpu.memory_space<vmem>>, vector<16xi32>,
    %get3A_82 = arith.constant 112 : index
    %get3A_83 = tpu.vector_load %arg5[%get3A_82] {strides = array<i32>} : memref<128xi32, #tpu.memory_space<vmem>>, vector<16xi32>,
    %get3A_84 = vector.shape_cast %get3A_83 : vector<16xi32> to vector<16xi32>
    %add3A_85 = vector.broadcast %mul3A_20 : i32 to vector<16xi32>
    %add3A_86 = arith.addi %get3A_84, %add3A_85 : vector<16xi32>
    %swap3A_87 = arith.constant 112 : index
    %swap3A_88 = tpu.vector_load %arg5[%swap3A_87] {strides = array<i32>} : memref<128xi32, #tpu.memory_space<vmem>>, vector<16xi32>,
    %swap3A_89 = vector.shape_cast %swap3A_88 : vector<16xi32> to vector<16xi32>
    %swap3A_90 = vector.shape_cast %add3A_86 : vector<16xi32> to vector<16xi32>
    tpu.vector_store %arg5[%swap3A_87], %swap3A_90 {strides = array<i32>} : memref<128xi32, #tpu.memory_space<vmem>>, vector<16xi32>,
    %dma_start3A = arith.constant 0 : i32
    %dma_start3A_91 = arith.constant 0 : i32
    %dma_start3A_92 = tpu.memref_slice %arg2[%dma_start3A, %dma_start3A_91] : memref<80000x256xf32, #tpu.memory_space<hbm>> -> memref<80000x256xf32, #tpu.memory_space<hbm>>
    tpu.enqueue_indirect_dma source(%dma_start3A_92 : memref<80000x256xf32, #tpu.memory_space<hbm>>) target(%arg6 : memref<128x256xf32, #tpu.memory_space<vmem>>) offsets(%arg5 : memref<128xi32, #tpu.memory_space<vmem>>) semaphore(%arg7 : memref<!tpu.dma_semaphore, #tpu.memory_space<semaphore_mem>>)
    %dma_wait3A = arith.constant 0 : i32
    %dma_wait3A_93 = arith.constant 0 : i32
    %dma_wait3A_94 = tpu.memref_slice %arg2[%dma_wait3A, %dma_wait3A_93] : memref<80000x256xf32, #tpu.memory_space<hbm>> -> memref<80000x256xf32, #tpu.memory_space<hbm>>
    tpu.wait_indirect_dma semaphore(%arg7 : memref<!tpu.dma_semaphore, #tpu.memory_space<semaphore_mem>>) src(%dma_wait3A_94 : memref<80000x256xf32, #tpu.memory_space<hbm>>) dst(%arg6 : memref<128x256xf32, #tpu.memory_space<vmem>>)
    "tpu.region"() ({
      %run_scoped3A = tpu.sem_alloc : memref<!tpu.dma_semaphore, #tpu.memory_space<semaphore_mem>>
      %dma_start3A_95 = arith.constant 0 : i32
      %dma_start3A_96 = tpu.memref_slice %arg4[%mul3A_2, %dma_start3A_95] : memref<4096x256xf32, #tpu.memory_space<hbm>> -> memref<128x256xf32, #tpu.memory_space<hbm>>
      %dma_start3A_97 = arith.constant 0 : i32
      %dma_start3A_98 = tpu.memref_slice %arg4[%mul3A_2, %dma_start3A_97] : memref<4096x256xf32, #tpu.memory_space<hbm>> -> memref<128x256xf32, #tpu.memory_space<hbm>>
      tpu.enqueue_dma source(%arg6 : memref<128x256xf32, #tpu.memory_space<vmem>>) target(%dma_start3A_98 : memref<128x256xf32, #tpu.memory_space<hbm>>) target_semaphore(%run_scoped3A : memref<!tpu.dma_semaphore, #tpu.memory_space<semaphore_mem>>)
      %dma_wait3A_99 = arith.constant 0 : i32
      %dma_wait3A_100 = tpu.memref_slice %arg4[%mul3A_2, %dma_wait3A_99] : memref<4096x256xf32, #tpu.memory_space<hbm>> -> memref<128x256xf32, #tpu.memory_space<hbm>>
      %dma_wait3A_101 = arith.constant 0 : i32
      %dma_wait3A_102 = tpu.memref_slice %arg4[%mul3A_2, %dma_wait3A_101] : memref<4096x256xf32, #tpu.memory_space<hbm>> -> memref<128x256xf32, #tpu.memory_space<hbm>>
      tpu.wait_dma2 semaphore(%run_scoped3A : memref<!tpu.dma_semaphore, #tpu.memory_space<semaphore_mem>>) src(%arg6 : memref<128x256xf32, #tpu.memory_space<vmem>>) dst(%dma_wait3A_102 : memref<128x256xf32, #tpu.memory_space<hbm>>)
      tpu.yield
    }) : () -> ()
    return
  }
}

</mosaic_0001>

<sc_bundles>
// kernel: _gather_rows.3.cloned.1.call-start
scs
__scs_entry_jumppad:
0x0: {  	(pc) =	sbr.rel $0x88, $3  }
0x1: {  	(tag) =	ssettag $0x0;
	lr =	simm.s32 $0x1  }
0x2: {  	[smem:$0x3F9F] =	sst lr;
	_ =	strace $0xD0000000  }
0x3: {  	_ = 	snop  }
0x4: {  	_ = 	snop  }
0x5: {  	_ = 	snop  }
0x6: {  	_ = 	snop  }
0x7: {  	_ = 	snop  }
__scs_overlays_trampoline_lowered:
0x8: {  	[smem:$0x3FAE] =	sst s0  }
0x9: {  	[smem:$0x3FAF] =	sst s1  }
0xa: {  	[smem:$0x3FB0] =	sst s2  }
0xb: {  	[smem:$0x3FB1] =	sst s3  }
0xc: {  	[smem:$0x3FB2] =	sst s4  }
0xd: {  	[smem:$0x3FB3] =	sst s5  }
0xe: {  	[smem:$0x3FB4] =	sst s6  }
0xf: {  	[smem:$0x3FB5] =	sst s7  }
0x10: {  	[smem:$0x3FB6] =	sst s8  }
0x11: {  	[smem:$0x3FB7] =	sst s9;
	s0 =	simm.s32 @!p0 $0x0  }
0x12: {  	s1 =	sld [smem:$0x3F9D];
	s0 =	simm.s32 @p0 $0x1  }
0x13: {  	[smem:$0x3FB8] =	sst s0;
	s0 =	simm.s32 @!p1 $0x0  }
0x14: {  	s2 =	sld [smem:$0x3F9C];
	s0 =	simm.s32 @p1 $0x1  }
0x15: {  	[smem:$0x3FB9] =	sst s0;
	s0 =	simm.s32 @!p2 $0x0  }
0x16: {  	s3 =	sld [smem:$0x3FDB];
	s0 =	simm.s32 @p2 $0x1  }
0x17: {  	s4 =	simm.s32 $0x1BF5;
	[smem:$0x3FBB] =	sst s0  }
0x18: {  	s0 =	sld [smem:$0x3F9E];
	_ =	swait.ge [sflag:s4], $0x0  }
0x19: {  	s7 =	sld [smem:$0x3F9F]  }
0x1a: {  	s8 =	sadd.s32 $0xFFFFE003, lr  }
0x1b: {  	s9 =	sadd.s32 $0xFFFFFEF7, lr;
	s5 =	simm.s32 $0xFFFFFFFF;
	p2 =	slt.u32 s8, $0xFFFFF086  }
0x1c: {  	p1 =	slt.u32 s9, $0xF7A;
	s5 =	simm.s32 @!p2 $0x0  }
0x1d: {  	s5 =	simm.s32 @p1 $0x1;
	p0 =	seq.s32 s7, s2  }
0x1e: {  	s7 =	smul.u32 @!p0 $0xF7A, s2;
	p2 =	seq.s32 @!p0 s5, $0x0  }
0x1f: {  	s9 =	smul.u32 $0xF7A, s1;
	s8 =	simm.s32 @!p0 $0x1BF5;
	p2 =	por !p2, p0  }
0x20: {  	[sflag:s8] =	ssyncset.s32 @!p0 $0xFFFFF086;
	s6 =	sadd.s32 @!p0 s3, s7;
	s7 =	simm.s32 @!p0 $0x108  }
0x21: {  	s3 =	sadd.s32 s3, s9;
	s6 =	sadd.s32 @!p0 $0x88, s6;
	s7 =	simm.s32 @p2 $0x1082  }
0x22: {  	[simem:s7], [sflag:s8] =	dma.local @!p0 [hbm:s6], $0xF7A  }
0x23: {  	s9 =	sor.u32 $0xD0000000, s2;
	s6 =	simm.s32 $0x108;
	_ =	swait.ge @!p0 [sflag:s8], $0x0  }
0x24: {  	s3 =	sadd.s32 $0x88, s3;
	s6 =	simm.s32 @!p1 $0x1082;
	[sflag:s4] =	ssyncset.s32 $0xFFFFF086  }
0x25: {  	[simem:s6], [sflag:s4] =	dma.local [hbm:s3], $0xF7A  }
0x26: {  	[smem:$0x3F9F] =	sst s1;
	(tag) =	ssettag s2;
	_ =	strace s9  }
0x27: {  	s1 =	sld [smem:$0x3FAF]  }
0x28: {  	s2 =	sld [smem:$0x3FB0]  }
0x29: {  	s4 =	sld [smem:$0x3FB2]  }
0x2a: {  	p0 =	seq.s32 s5, $0x0;
	s5 =	sld [smem:$0x3FB3]  }
0x2b: {  	s6 =	sld [smem:$0x3FB4]  }
0x2c: {  	s7 =	sld [smem:$0x3FB5]  }
0x2d: {  	s3 =	simm.s32 $0x108;
	s8 =	sld [smem:$0x3FB6]  }
0x2e: {  	s3 =	simm.s32 @!p0 $0x1082;
	s9 =	sld [smem:$0x3FB7]  }
0x2f: {  	lr =	sadd.s32 s0, s3;
	s0 =	sld [smem:$0x3FAE]  }
0x30: {  	s3 =	sld [smem:$0x3FB1]  }
0x31: {  	[smem:$0x3FBA] =	sst s10  }
0x32: {  	s10 =	sld [smem:$0x3FB8];
	_ =	sdelay $0x3  }
0x33: {  	p0 =	seq.s32 s10, $0x1;
	s10 =	sld [smem:$0x3FBA];
	_ =	sdelay $0x3  }
0x34: {  	[smem:$0x3FBA] =	sst s10  }
0x35: {  	s10 =	sld [smem:$0x3FB9];
	_ =	sdelay $0x3  }
0x36: {  	p1 =	seq.s32 s10, $0x1;
	s10 =	sld [smem:$0x3FBA];
	_ =	sdelay $0x3  }
0x37: {  	[smem:$0x3FBA] =	sst s10  }
0x38: {  	s10 =	sld [smem:$0x3FBB]  }
0x39: {  	_ = 	snop;
	(pc) =	sbr.ind lr, $3  }
0x3a: {  	_ = 	snop  }
0x3b: {  	_ = 	snop  }
0x3c: {  	p2 =	seq.s32 s10, $0x1;
	s10 =	sld [smem:$0x3FBA]  }
0x3d: {  	_ =	shalt  }
0x3e: {  	_ =	shalt  }
0x3f: {  	_ =	shalt  }
0x40: {  	_ =	shalt  }
0x41: {  	_ =	shalt  }
0x42: {  	_ =	shalt  }
0x43: {  	_ =	shalt  }
0x44: {  	_ =	shalt  }
0x45: {  	_ =	shalt  }
0x46: {  	_ =	shalt  }
0x47: {  	_ =	shalt  }
0x48: {  	_ =	shalt  }
0x49: {  	_ =	shalt  }
0x4a: {  	_ =	shalt  }
0x4b: {  	_ =	shalt  }
0x4c: {  	_ =	shalt  }
0x4d: {  	_ =	shalt  }
0x4e: {  	_ =	shalt  }
0x4f: {  	_ =	shalt  }
0x50: {  	_ =	shalt  }
0x51: {  	_ =	shalt  }
0x52: {  	_ =	shalt  }
0x53: {  	_ =	shalt  }
0x54: {  	_ =	shalt  }
0x55: {  	_ =	shalt  }
0x56: {  	_ =	shalt  }
0x57: {  	_ =	shalt  }
0x58: {  	_ =	shalt  }
0x59: {  	_ =	shalt  }
0x5a: {  	_ =	shalt  }
0x5b: {  	_ =	shalt  }
0x5c: {  	_ =	shalt  }
0x5d: {  	_ =	shalt  }
0x5e: {  	_ =	shalt  }
0x5f: {  	_ =	shalt  }
0x60: {  	_ =	shalt  }
0x61: {  	_ =	shalt  }
0x62: {  	_ =	shalt  }
0x63: {  	_ =	shalt  }
0x64: {  	_ =	shalt  }
0x65: {  	_ =	shalt  }
0x66: {  	_ =	shalt  }
0x67: {  	_ =	shalt  }
0x68: {  	_ =	shalt  }
0x69: {  	_ =	shalt  }
0x6a: {  	_ =	shalt  }
0x6b: {  	_ =	shalt  }
0x6c: {  	_ =	shalt  }
0x6d: {  	_ =	shalt  }
0x6e: {  	_ =	shalt  }
0x6f: {  	_ =	shalt  }
0x70: {  	_ =	shalt  }
0x71: {  	_ =	shalt  }
0x72: {  	_ =	shalt  }
0x73: {  	_ =	shalt  }
0x74: {  	_ =	shalt  }
0x75: {  	_ =	shalt  }
0x76: {  	_ =	shalt  }
0x77: {  	_ =	shalt  }
0x78: {  	_ =	shalt  }
0x79: {  	_ =	shalt  }
0x7a: {  	_ =	shalt  }
0x7b: {  	_ =	shalt  }
0x7c: {  	_ =	shalt  }
0x7d: {  	_ =	shalt  }
0x7e: {  	_ =	shalt  }
0x7f: {  	_ =	shalt  }
0x80: {  	_ =	shalt  }
0x81: {  	_ =	shalt  }
0x82: {  	_ =	shalt  }
0x83: {  	_ =	shalt  }
0x84: {  	_ =	shalt  }
0x85: {  	_ =	shalt  }
0x86: {  	_ =	shalt  }
0x87: {  	_ =	shalt  }
.Lfunc_end0:
.L_simem_size_0:
called_computation_lowered:
.L_overlay_start_0:
0x88: {  	s2 =	sld [smem:$0x3FD9]  }
0x89: {  	s3 =	sld [smem:$0x3FFE];
	_ =	sdelay $0x1  }
0x8a: {  	s1 =	srdreg.scid  }
0x8b: {  	s0 =	sand.u32 $0x1, s1  }
0x8c: {  	s18 =	sshll.u32 s0, $0xA;
	s2 =	sadd.s32 s3, s2  }
0x8d: {  	s2 =	sadd.s32 s2, s18  }
0x8e: {  	[smem:$0x3FC6] =	sst s2  }
0x8f: {  	_ = 	snop  }
0x90: {  	s2 =	sld [smem:$0x3FC9]  }
0x91: {  	s19 =	sld [smem:$0x3FC8]  }
0x92: {  	s4 =	sld [smem:$0x3FD0];
	(tm) =	ssettm $0x1  }
0x93: {  	s5 =	sld [smem:$0x3FFB];
	_ =	sdelay $0x3  }
0x94: {  	_ =	strace s5  }
0x95: {  	s5 =	sld [smem:$0x3FFC];
	_ =	sdelay $0x3  }
0x96: {  	_ =	strace s5  }
0x97: {  	s5 =	sld [smem:$0x3FFD];
	_ =	sdelay $0x3  }
0x98: {  	_ =	strace s5  }
0x99: {  	_ =	strace $0x8FFFFFFF  }
0x9a: {  	s20 =	sld [smem:$0x3FDB];
	_ =	sdelay $0x1  }
0x9b: {  	s6 =	simm.s32 $_scs_section_size  }
0x9c: {  	s7 =	simm.s32 $_size__tile_overlayer_lowered;
	s8 =	simm.s32 $_tile_overlayer_lowered  }
0x9d: {  	s23 =	simm.s32 $0x1BFF;
	s22 =	sshll.u32 s8, $0x1;
	s5 =	sadd.s32 s6, s20  }
0x9e: {  	s9 =	simm.s32 $0x0;
	s21 =	sshll.u32 s7, $0x1;
	s7 =	sadd.s32 s22, s5  }
0x9f: {  	[timem:s9], [sflag:s23] =	dma.local [hbm:s7], s21  }
0xa0: {  	_ =	swait.ge [sflag:s23], s21  }
0xa1: {  	s6 =	ssub.s32 $0x0, s21;
	[sflag:s23] =	ssyncset.done $0x0  }
0xa2: {  	[sflag:s23] =	ssyncadd.s32 s6;
	_ =	sdelay $0x1  }
0xa3: {  	s24 =	simm.s32 $0x1B8B  }
0xa4: {  	_ =	swait.ge [sflag:s24], $0x1  }
0xa5: {  	[sflag:s24] =	ssyncset.done $0x0  }
0xa6: {  	s25 =	simm.s32 $0x1B8E;
	[sflag:s24] =	ssyncadd.s32 $0xFFFFFFFF  }
0xa7: {  	s26 =	simm.s32 $execute0_lowered;
	[smem:$0x3FD2] =	sst s25  }
0xa8: {  	s6 =	sshll.u32 s26, $0x1;
	_ =	strace $0x80000046;
	[dreg:$0x1] =	wrdreg $0xFFFFFFFF  }
0xa9: {  	s28 =	simm.s32 $_size_execute0_lowered;
	s5 =	sadd.s32 s5, s6;
	[dreg:$0x0] =	wrdreg $0x0  }
0xaa: {  	s6 =	sshll.u32 s28, $0x1;
	[dreg:$0x2] =	wrdreg s5  }
0xab: {  	[dreg:$0x3] =	wrdreg s6  }
0xac: {  	[dreg:$0x4] =	wrdreg $0xC0  }
0xad: {  	_ =	task [dreg:s9], $0x5FFFF  }
0xae: {  	[dreg:$0x1] =	wrdreg $0xFFFFFFFF  }
0xaf: {  	[dreg:$0x0] =	wrdreg $0x60  }
0xb0: {  	[dreg:$0x2] =	wrdreg s2  }
0xb1: {  	[dreg:$0x3] =	wrdreg s19  }
0xb2: {  	[dreg:$0x4] =	wrdreg s4  }
0xb3: {  	[dreg:$0x5] =	wrdreg $0x9  }
0xb4: {  	_ =	task.clear_ibuf [dreg:s9], $0x6FFFF;
	_ =	strace $0x90000046  }
0xb5: {  	s29 =	simm.s32 $0x9;
	_ =	strace $0x80000048  }
0xb6: {  	_ =	swait.ge [sflag:s29], $0x1  }
0xb7: {  	[sflag:s29] =	ssyncadd.s32 $0xFFFFFFFF  }
0xb8: {  	_ =	strace $0x90000048  }
0xb9: {  	_ =	sfence  }
0xba: {  	s30 =	sld [smem:$0x0];
	_ =	sdelay $0x2  }
0xbb: {  	s31 =	sshll.u32 s1, $0xD;
	s1 =	sshrl.u32 s1, $0x2  }
0xbc: {  	s3 =	sand.u32 $0x4000, s31;
	s1 =	sadd.s32 s1, s30  }
0xbd: {  	s0 =	sor.u32 s3, s0;
	s1 =	sshll.u32 s1, $0x11  }
0xbe: {  	s0 =	sor.u32 s1, s0  }
0xbf: {  	s0 =	sadd.s32 $0x8F2B, s0  }
0xc0: {  	[sflag:s0] =	ssyncadd.remote.s32 $0x1  }
0xc1: {  	_ =	sfence.sel $0xFFFF  }
0xc2: {  	[dreg:$0x0] =	wrdreg $0xFFFFFFFF;
	(pc) =	sbr.abs _section_cstart, $3  }
0xc3: {  	[dreg:$0x1] =	wrdreg $0xFFFFFFFF  }
0xc4: {  	_ =	task.clear_ibuf [dreg:s9], $0x2FFFF;
	_ =	strace $0x9FFFFFFF  }
0xc5: {  	(tm) =	ssettm $0x7FFFFFFF  }
tec
execute0_lowered:
.L_overlay_start_1:
0x0: {  	(tag) =	ssettag $0x1  }
0x1: {  	s1 =	rddreg [dreg:$0x0]  }
0x2: {  	s4 =	rddreg [dreg:$0x1]  }
0x3: {  	s5 =	rddreg [dreg:$0x2];
	s3 =	srdreg.scid  }
0x4: {  	s0 =	rddreg [dreg:$0x3];
	s2 =	stileid.u32;
	s10 =	simm.s32 $0x1080  }
0x5: {  	s11 =	simm.s32 $0x1880;
	s12 =	simm.s32 $0x2080;
	s13 =	simm.s32 $0x2880  }
0x6: {  	s14 =	simm.s32 $0x3080;
	s15 =	simm.s32 $0x3880;
	s16 =	simm.s32 $0x4080  }
0x7: {  	s17 =	simm.s32 $0x4880;
	s18 =	simm.s32 $0x5080;
	s20 =	simm.s32 $0x6080  }
0x8: {  	s21 =	simm.s32 $0x6880;
	s22 =	simm.s32 $0x7080;
	s23 =	simm.s32 $0x7880  }
0x9: {  	s24 =	simm.s32 $0x1;
	s6 =	sand.u32 $0x1, s3;
	s3 =	simm.s32 $0x0  }
0xa: {  	s8 =	sshll.u32 s2, $0x1;
	s31 =	sshrl.u32 s2, $0x2;
	s7 =	ssub.s32 $0x2, s6  }
0xb: {  	[smem:$0x7FF] =	sst s3;
	s6 =	sor.u32 s6, s8;
	s19 =	smul.u32 $0x4E20, s31  }
0xc: {  	s9 =	sshrl.u32 s7, $0x1;
	_ =	strace $0x80000047;
	s8 =	sshll.u32 s6, $0x4  }
0xd: {  	v3 =	vlaneseq.u32;
	s6 =	sshll.u32 s6, $0xC;
	s7 =	ssub.s32 s7, s9;
	s4 =	sadd.s32 s4, s8  }
0xe: {  	vm0 =	vmmov $0xffff;
	v1 =	vand.u32 $0x7, v3;
	v2 =	vshrl.u32 v3, $0x3;
	s5 =	sadd.s32 s5, s6;
	s8 =	simm.s32 $0x80;
	s9 =	simm.s32 $0x880  }
0xf: {  	v3 =	vor.u32 $0x8, v3;
	v2 =	vmul.u32 $0x8, v2;
	v0 =	vmov s19;
	s19 =	simm.s32 $0x5880;
	s6 =	smax.u32 s7, $0x1;
	s7 =	simm.s32 $0x2  }
.LBB2_1:
0x10: {  	[tilespmem:s3], [sflag:$0x2] =	stream.linear.gather [hbm4b:s4+s3], $0x80, $0x38;
	[tilespmem:$0x8080] =	vst v63  }
0x11: {  	_ =	swait.ge [sflag:s7], $0x80  }
0x12: {  	[sflag:s7] =	ssyncset.done $0x0  }
0x13: {  	[sflag:s7] =	ssyncadd.s32 $0xFFFFFF80  }
0x14: {  	v4 =	vld [tilespmem:$0x0];
	_ =	sdelay $0x2  }
0x15: {  	v5 =	vld [tilespmem:$0x10]  }
0x16: {  	v6 =	vld [tilespmem:$0x20]  }
0x17: {  	v8 =	vld [tilespmem:$0x30];
	v7 =	vadd.s32 v0, v4  }
0x18: {  	v9 =	vld [tilespmem:$0x40];
	v10 =	vshll.u32 v7, $0x1  }
0x19: {  	v11 =	vld [tilespmem:$0x50];
	v4 =	vand.u32 $0x7, v4;
	v10 =	vand.u32 $0xFFFFFFF0, v10  }
0x1a: {  	v61 =	vld [tilespmem:$0x60];
	v5 =	vadd.s32 v0, v5;
	[tilespmem:$0x0] =	vst v7;
	v4 =	vor.u32 v4, v10  }
0x1b: {  	v62 =	vld [tilespmem:$0x70];
	[tilespmem:$0x10] =	vst v5;
	v5 =	vadd.s32 v0, v6;
	v10 =	vperm.xlane v4, v1  }
0x1c: {  	[tilespmem:$0x20] =	vst v5;
	v5 =	vadd.s32 v0, v8  }
0x1d: {  	[tilespmem:$0x30] =	vst v5;
	v5 =	vadd.s32 v0, v9;
	v4 =	vperm.xlane v4, v3;
	v63 =	vadd.s32 v2, v10  }
0x1e: {  	[tilespmem:$0x40] =	vst v5;
	v5 =	vadd.s32 v0, v11  }
0x1f: {  	[tilespmem:$0x50] =	vst v5;
	v5 =	vadd.s32 v0, v61;
	v4 =	vadd.s32 v2, v4  }
0x20: {  	[tilespmem:$0x60] =	vst v5;
	v5 =	vadd.s32 v0, v62  }
0x21: {  	[tilespmem:$0x70] =	vst v5  }
0x22: {  	[tilespmem:s8], [sflag:$0x1] =	stream.indirect_vreg.gather [hbm4b:s1+s3], $0x80, v63, vm0, $0xb8;
	[tilespmem:$0x8080] =	vst v63  }
0x23: {  	_ = 	snop  }
0x24: {  	[tilespmem:s9], [sflag:$0x1] =	stream.indirect_vreg.gather [hbm4b:s1+s3], $0x80, v4, vm0, $0xb8;
	[tilespmem:$0x8080] =	vst v63  }
0x25: {  	v4 =	vld [tilespmem:$0x10];
	_ =	sdelay $0x4  }
0x26: {  	v5 =	vshll.u32 v4, $0x1  }
0x27: {  	v4 =	vand.u32 $0x7, v4;
	v5 =	vand.u32 $0xFFFFFFF0, v5  }
0x28: {  	v4 =	vor.u32 v4, v5  }
0x29: {  	v5 =	vperm.xlane v4, v1;
	_ =	sdelay $0x1  }
0x2a: {  	v4 =	vperm.xlane v4, v3;
	v5 =	vadd.s32 v2, v5;
	_ =	sdelay $0x1  }
0x2b: {  	v4 =	vadd.s32 v2, v4;
	_ =	sdelay $0x2  }
0x2c: {  	[tilespmem:s10], [sflag:$0x1] =	stream.indirect_vreg.gather [hbm4b:s1+s3], $0x80, v5, vm0, $0xb8;
	[tilespmem:$0x8080] =	vst v63  }
0x2d: {  	_ = 	snop  }
0x2e: {  	[tilespmem:s11], [sflag:$0x1] =	stream.indirect_vreg.gather [hbm4b:s1+s3], $0x80, v4, vm0, $0xb8;
	[tilespmem:$0x8080] =	vst v63  }
0x2f: {  	v4 =	vld [tilespmem:$0x20];
	_ =	sdelay $0x4  }
0x30: {  	v5 =	vshll.u32 v4, $0x1  }
0x31: {  	v4 =	vand.u32 $0x7, v4;
	v5 =	vand.u32 $0xFFFFFFF0, v5  }
0x32: {  	v4 =	vor.u32 v4, v5  }
0x33: {  	v5 =	vperm.xlane v4, v1;
	_ =	sdelay $0x1  }
0x34: {  	v4 =	vperm.xlane v4, v3;
	v5 =	vadd.s32 v2, v5;
	_ =	sdelay $0x1  }
0x35: {  	v4 =	vadd.s32 v2, v4;
	_ =	sdelay $0x2  }
0x36: {  	[tilespmem:s12], [sflag:$0x1] =	stream.indirect_vreg.gather [hbm4b:s1+s3], $0x80, v5, vm0, $0xb8;
	[tilespmem:$0x8080] =	vst v63  }
0x37: {  	_ = 	snop  }
0x38: {  	[tilespmem:s13], [sflag:$0x1] =	stream.indirect_vreg.gather [hbm4b:s1+s3], $0x80, v4, vm0, $0xb8;
	[tilespmem:$0x8080] =	vst v63  }
0x39: {  	v4 =	vld [tilespmem:$0x30];
	_ =	sdelay $0x4  }
0x3a: {  	v5 =	vshll.u32 v4, $0x1  }
0x3b: {  	v4 =	vand.u32 $0x7, v4;
	v5 =	vand.u32 $0xFFFFFFF0, v5  }
0x3c: {  	v4 =	vor.u32 v4, v5  }
0x3d: {  	v5 =	vperm.xlane v4, v1;
	_ =	sdelay $0x1  }
0x3e: {  	v4 =	vperm.xlane v4, v3;
	v5 =	vadd.s32 v2, v5;
	_ =	sdelay $0x1  }
0x3f: {  	v4 =	vadd.s32 v2, v4;
	_ =	sdelay $0x2  }
0x40: {  	[tilespmem:s14], [sflag:$0x1] =	stream.indirect_vreg.gather [hbm4b:s1+s3], $0x80, v5, vm0, $0xb8;
	[tilespmem:$0x8080] =	vst v63  }
0x41: {  	_ = 	snop  }
0x42: {  	[tilespmem:s15], [sflag:$0x1] =	stream.indirect_vreg.gather [hbm4b:s1+s3], $0x80, v4, vm0, $0xb8;
	[tilespmem:$0x8080] =	vst v63  }
0x43: {  	v4 =	vld [tilespmem:$0x40];
	_ =	sdelay $0x4  }
0x44: {  	v5 =	vshll.u32 v4, $0x1  }
0x45: {  	v4 =	vand.u32 $0x7, v4;
	v5 =	vand.u32 $0xFFFFFFF0, v5  }
0x46: {  	v4 =	vor.u32 v4, v5  }
0x47: {  	v5 =	vperm.xlane v4, v1;
	_ =	sdelay $0x1  }
0x48: {  	v4 =	vperm.xlane v4, v3;
	v5 =	vadd.s32 v2, v5;
	_ =	sdelay $0x1  }
0x49: {  	v4 =	vadd.s32 v2, v4;
	_ =	sdelay $0x2  }
0x4a: {  	[tilespmem:s16], [sflag:$0x1] =	stream.indirect_vreg.gather [hbm4b:s1+s3], $0x80, v5, vm0, $0xb8;
	[tilespmem:$0x8080] =	vst v63  }
0x4b: {  	_ = 	snop  }
0x4c: {  	[tilespmem:s17], [sflag:$0x1] =	stream.indirect_vreg.gather [hbm4b:s1+s3], $0x80, v4, vm0, $0xb8;
	[tilespmem:$0x8080] =	vst v63  }
0x4d: {  	v4 =	vld [tilespmem:$0x50];
	_ =	sdelay $0x4  }
0x4e: {  	v5 =	vshll.u32 v4, $0x1  }
0x4f: {  	v4 =	vand.u32 $0x7, v4;
	v5 =	vand.u32 $0xFFFFFFF0, v5  }
0x50: {  	v4 =	vor.u32 v4, v5  }
0x51: {  	v5 =	vperm.xlane v4, v1;
	_ =	sdelay $0x1  }
0x52: {  	v4 =	vperm.xlane v4, v3;
	v5 =	vadd.s32 v2, v5;
	_ =	sdelay $0x1  }
0x53: {  	v4 =	vadd.s32 v2, v4;
	_ =	sdelay $0x2  }
0x54: {  	[tilespmem:s18], [sflag:$0x1] =	stream.indirect_vreg.gather [hbm4b:s1+s3], $0x80, v5, vm0, $0xb8;
	[tilespmem:$0x8080] =	vst v63  }
0x55: {  	_ = 	snop  }
0x56: {  	[tilespmem:s19], [sflag:$0x1] =	stream.indirect_vreg.gather [hbm4b:s1+s3], $0x80, v4, vm0, $0xb8;
	[tilespmem:$0x8080] =	vst v63  }
0x57: {  	v4 =	vld [tilespmem:$0x60];
	_ =	sdelay $0x4  }
0x58: {  	v5 =	vshll.u32 v4, $0x1  }
0x59: {  	v4 =	vand.u32 $0x7, v4;
	v5 =	vand.u32 $0xFFFFFFF0, v5  }
0x5a: {  	v4 =	vor.u32 v4, v5  }
0x5b: {  	v5 =	vperm.xlane v4, v1;
	_ =	sdelay $0x1  }
0x5c: {  	v4 =	vperm.xlane v4, v3;
	v5 =	vadd.s32 v2, v5;
	_ =	sdelay $0x1  }
0x5d: {  	v4 =	vadd.s32 v2, v4;
	_ =	sdelay $0x2  }
0x5e: {  	[tilespmem:s20], [sflag:$0x1] =	stream.indirect_vreg.gather [hbm4b:s1+s3], $0x80, v5, vm0, $0xb8;
	[tilespmem:$0x8080] =	vst v63  }
0x5f: {  	_ = 	snop  }
0x60: {  	[tilespmem:s21], [sflag:$0x1] =	stream.indirect_vreg.gather [hbm4b:s1+s3], $0x80, v4, vm0, $0xb8;
	[tilespmem:$0x8080] =	vst v63  }
0x61: {  	v4 =	vld [tilespmem:$0x70];
	_ =	sdelay $0x4  }
0x62: {  	v5 =	vshll.u32 v4, $0x1  }
0x63: {  	v4 =	vand.u32 $0x7, v4;
	v5 =	vand.u32 $0xFFFFFFF0, v5  }
0x64: {  	v4 =	vor.u32 v4, v5  }
0x65: {  	v5 =	vperm.xlane v4, v1;
	_ =	sdelay $0x1  }
0x66: {  	v4 =	vperm.xlane v4, v3;
	v5 =	vadd.s32 v2, v5;
	_ =	sdelay $0x1  }
0x67: {  	v4 =	vadd.s32 v2, v4;
	_ =	sdelay $0x2  }
0x68: {  	[tilespmem:s22], [sflag:$0x1] =	stream.indirect_vreg.gather [hbm4b:s1+s3], $0x80, v5, vm0, $0xb8;
	[tilespmem:$0x8080] =	vst v63  }
0x69: {  	_ = 	snop  }
0x6a: {  	[tilespmem:s23], [sflag:$0x1] =	stream.indirect_vreg.gather [hbm4b:s1+s3], $0x80, v4, vm0, $0xb8;
	[tilespmem:$0x8080] =	vst v63  }
0x6b: {  	_ =	swait.ge [sflag:s24], $0x8000  }
0x6c: {  	p0 =	sne.s32 s6, $0x1;
	[sflag:s24] =	ssyncset.done $0x0  }
.Ltmp0:
0x6d: {  	[sflag:s24] =	ssyncadd.s32 $0xFFFF8000;
	(pc) =	sbr.rel @p0 .LBB2_1-.Ltmp0, $4  }
0x6e: {  	[hbm4b:s5+s3] =	stream.linear.scatter [tilespmem:s8], [sflag:$0x2], $0x8000, $0x38;
	[tilespmem:$0x8080] =	vst v63  }
0x6f: {  	_ =	swait.ge [sflag:s7], $0x8000  }
0x70: {  	[sflag:s7] =	ssyncset.done $0x0  }
0x71: {  	s6 =	sadd.s32 $0xFFFFFFFF, s6;
	[sflag:s7] =	ssyncadd.s32 $0xFFFF8000  }
0x72: {  	_ =	sfence.sel $0x180000  }
0x73: {  	[bflag:$0x0] =	sbarrier.arrive $0xFFFF  }
0x74: {  	p0 =	sne.s32 s2, $0x0;
	_ =	strace $0x90000047  }
0x75: {  	s0 =	sadd.s32 @!p0 $0x100000, s0;
	[bflag:$0x2] =	sbarrier.arrive $0xFFFF  }
0x76: {  	[sflag:s0] =	ssyncadd.tile.s32 @!p0 $0x1;
	_ =	shalt  }
.Lfunc_end2:
_tile_overlayer_lowered:
.L_overlay_start_2:
0x77: {  	(tag) =	ssettag $0x2  }
0x78: {  	s0 =	rddreg [dreg:$0x0];
	s2 =	stileid.u32  }
0x79: {  	s1 =	rddreg [dreg:$0x1];
	p0 =	sne.s32 s2, $0x0  }
0x7a: {  	s3 =	rddreg [dreg:$0x2];
	[bflag:$0x3] =	sbarrier.arrive $0xFFFF;
	s2 =	simm.s32 @!p0 $0x1C02  }
0x7b: {  	[timem:s3], [sflag:s2] =	dma.local @!p0 [hbm:s0], s1  }
0x7c: {  	s0 =	simm.s32 @!p0 $0x2  }
0x7d: {  	_ =	swait.ge @!p0 [sflag:s0], s1  }
0x7e: {  	s1 =	ssub.s32 @!p0 $0x0, s1;
	[sflag:s0] =	ssyncset.done @!p0 $0x0  }
0x7f: {  	[sflag:s0] =	ssyncadd.s32 @!p0 s1  }
0x80: {  	[bflag:$0x3] =	sbarrier.arrive $0xFFFF  }
0x81: {  	_ =	shalt  }

</sc_bundles>
